<compile_context>
chip_gen: v7x
topology: tpu7x:2x2x1
jax: 0.10.2.dev20260603
libtpu: 0.0.44.dev20260713+nightly
codegen_flags: <defaults>
</compile_context>

<pallas_src>
import functools

import jax
import jax.numpy as jnp
from jax import lax
from jax.experimental import pallas as pl
from jax.experimental.pallas import tpu as pltpu
from jax.experimental.pallas import tpu_sc as plsc

N_NODES_C = 10000
N_NODES_PAD = 10240
D_HALF = 128
N_TRIP = 160000
N_SUBCORES = 16
TRIP_PER_SUB = N_TRIP // N_SUBCORES
CHUNK = 80
N_CHUNKS = TRIP_PER_SUB // CHUNK
ROWS_PER_SUB = N_NODES_PAD // N_SUBCORES


def _body(x2, ai, aj, ak, out, iic, ijc, ikc, msg, acc, sem):
    c = lax.axis_index("c")
    s = lax.axis_index("s")

    off = c * N_NODES_C
    tbase = s * TRIP_PER_SUB

    def zero_row(t, _):
        for m in range(D_HALF // 16):
            msg[t, pl.ds(m * 16, 16)] = jnp.zeros((16,), jnp.float32)
        return 0

    lax.fori_loop(0, CHUNK, zero_row, 0)
    base = s * ROWS_PER_SUB
    for b in range(ROWS_PER_SUB // CHUNK):
        pltpu.sync_copy(msg, acc.at[pl.ds(base + b * CHUNK, CHUNK)])
    plsc.subcore_barrier()

    def chunk_body(t, _):
        toff = tbase + t * CHUNK
        pltpu.sync_copy(ai.at[pl.ds(toff, CHUNK)], iic)
        pltpu.sync_copy(aj.at[pl.ds(toff, CHUNK)], ijc)
        pltpu.sync_copy(ak.at[pl.ds(toff, CHUNK)], ikc)
        for m in range(CHUNK // 16):
            sl = pl.ds(m * 16, 16)
            ijc[sl] = ijc[sl] + off
            ikc[sl] = ikc[sl] + off
        pltpu.async_copy(x2.at[ijc], msg, sem).wait()
        pltpu.async_copy(x2.at[ikc], msg, sem, add=True).wait()
        pltpu.async_copy(msg, acc.at[iic], sem, add=True).wait()
        return 0

    lax.fori_loop(0, N_CHUNKS, chunk_body, 0)
    plsc.subcore_barrier()

    pltpu.sync_copy(
        acc.at[pl.ds(base, ROWS_PER_SUB)],
        out.at[pl.ds(c * N_NODES_PAD + base, ROWS_PER_SUB)],
    )


@jax.jit
def _run(x2, ai, aj, ak):
    mesh = plsc.VectorSubcoreMesh(core_axis_name="c", subcore_axis_name="s")
    f = pl.kernel(
        _body,
        out_type=jax.ShapeDtypeStruct((2 * N_NODES_PAD, D_HALF), jnp.float32),
        mesh=mesh,
        scratch_types=[
            pltpu.VMEM((CHUNK,), jnp.int32),
            pltpu.VMEM((CHUNK,), jnp.int32),
            pltpu.VMEM((CHUNK,), jnp.int32),
            pltpu.VMEM((CHUNK, D_HALF), jnp.float32),
            pltpu.VMEM_SHARED((N_NODES_PAD, D_HALF), jnp.float32),
            pltpu.SemaphoreType.DMA,
        ],
    )
    return f(x2, ai, aj, ak)


def kernel(x, a2_indices, e2, a3_indices, e3):
    x2 = jnp.concatenate([x[:, :D_HALF], x[:, D_HALF:]], axis=0)
    ai = a3_indices[0]
    aj = a3_indices[1]
    ak = a3_indices[2]
    out = _run(x2, ai, aj, ak)
    return jnp.concatenate(
        [out[:N_NODES_C], out[N_NODES_PAD:N_NODES_PAD + N_NODES_C]], axis=1
    )

# --- scband reference (transcript-rebuilt; emitter-appended) ---
"""Pipeline reference for scband-message3-passing-80444737454511 (READ-ONLY COPY).

The authoritative reference and input builder live on the scoring server;
editing this copy changes nothing except your own understanding.
"""

import jax, jax.numpy as jnp
import numpy as np

N_NODES = 10000
D_FEAT = 256
N_EDGES = 160000
N_TRIPLETS = 160000
D_EDGE = 16


def setup_inputs(seed: int = 0) -> dict:
    key = jax.random.key(seed)
    k1, k2, k3, k4, k5 = jax.random.split(key, 5)
    x = jax.random.normal(k1, (N_NODES, D_FEAT), dtype=jnp.float32)
    a2_indices = jax.random.randint(k2, (2, N_EDGES), 0, N_NODES, dtype=jnp.int32)
    e2 = jax.random.normal(k3, (N_EDGES, D_EDGE), dtype=jnp.float32)
    a3_indices = jax.random.randint(k4, (3, N_TRIPLETS), 0, N_NODES, dtype=jnp.int32)
    e3 = jax.random.normal(k5, (N_TRIPLETS, D_EDGE), dtype=jnp.float32)
    return {"x": x, "a2_indices": a2_indices, "e2": e2, "a3_indices": a3_indices, "e3": e3}


def reference(x, a2_indices, e2, a3_indices, e3):
    # Message3Passing.propagate with a concrete triplet message/aggregate:
    #   index_i, index_j, index_k = a3.indices[:, 0/1/2]
    #   message   = get_j(x) + get_k(x)   (gather along node axis)
    #   aggregate = scatter-sum ('sum' deserialize_scatter) of messages into index_i
    #   update    = identity
    index_i = a3_indices[0]
    index_j = a3_indices[1]
    index_k = a3_indices[2]
    x_j = jnp.take(x, index_j, axis=0)   # get_j(x) -> tf.gather(x, index_j, axis=-2)
    x_k = jnp.take(x, index_k, axis=0)   # get_k(x) -> tf.gather(x, index_k, axis=-2)
    messages = x_j + x_k
    embeddings = jax.ops.segment_sum(messages, index_i, num_segments=x.shape[0])
    return embeddings

if __name__ == "__main__":
    import jax
    _d = setup_inputs()
    print(jax.jit(kernel)(*tuple(_d.values())))

</pallas_src>

<mosaic_0001>
#map = affine_map<(d0, d1) -> (0, 0)>
#map1 = affine_map<(d0, d1) -> (0)>
module attributes {stable_mosaic.version = 14 : i64} {
  func.func @_body(%arg0: i32, %arg1: i32, %arg2: memref<20000x128xf32, #tpu.memory_space<hbm>>, %arg3: memref<160000xi32, #tpu.memory_space<hbm>>, %arg4: memref<160000xi32, #tpu.memory_space<hbm>>, %arg5: memref<160000xi32, #tpu.memory_space<hbm>>, %arg6: memref<20480x128xf32, #tpu.memory_space<hbm>>, %arg7: memref<80xi32, #tpu.memory_space<vmem>>, %arg8: memref<80xi32, #tpu.memory_space<vmem>>, %arg9: memref<80xi32, #tpu.memory_space<vmem>>, %arg10: memref<80x128xf32, #tpu.memory_space<vmem>>, %arg11: memref<10240x128xf32, #tpu.memory_space<vmem_shared>>, %arg12: memref<!tpu.dma_semaphore, #tpu.memory_space<semaphore_mem>>) attributes {dimension_semantics = [#tpu.dimension_semantics<core_parallel>, #tpu.dimension_semantics<subcore_parallel>], iteration_bounds = array<i64: 2, 16>, scalar_prefetch = 0 : i64, scratch_operands = 6 : i64, tpu.core_type = #tpu.core_type<sc_vector_subcore>, window_params = [{transform_indices = #map}, {transform_indices = #map1}, {transform_indices = #map1}, {transform_indices = #map1}, {transform_indices = #map}]} {
    %mul3A = arith.constant 10000 : i32
    %mul3A_0 = arith.muli %arg0, %mul3A : i32
    %mul3A_1 = arith.constant 10000 : i32
    %mul3A_2 = arith.muli %arg1, %mul3A_1 : i32
    %scan3A = arith.constant 0 : i32
    %scan3A_3 = arith.constant 0 : i32
    %scan3A_4 = arith.constant 80 : i32
    %scan3A_5 = arith.addi %scan3A_3, %scan3A_4 : i32
    %scan3A_6 = arith.constant 1 : i32
    %scan3A_7 = scf.for %scan3A_37 = %scan3A_3 to %scan3A_5 step %scan3A_6 iter_args(%scan3A_38 = %scan3A) -> (i32)  : i32 {
      %broadcast_in_dim3A = arith.constant 0.000000e+00 : f32
      %broadcast_in_dim3A_39 = vector.broadcast %broadcast_in_dim3A : f32 to vector<16xf32>
      %swap3A = arith.index_cast %scan3A_37 : i32 to index
      %swap3A_40 = arith.constant 0 : index
      %swap3A_41 = tpu.vector_load %arg10[%swap3A, %swap3A_40] {strides = array<i32>} : memref<80x128xf32, #tpu.memory_space<vmem>>, vector<1x16xf32>,
      %swap3A_42 = vector.shape_cast %swap3A_41 : vector<1x16xf32> to vector<16xf32>
      %swap3A_43 = vector.shape_cast %broadcast_in_dim3A_39 : vector<16xf32> to vector<1x16xf32>
      tpu.vector_store %arg10[%swap3A, %swap3A_40], %swap3A_43 {strides = array<i32>} : memref<80x128xf32, #tpu.memory_space<vmem>>, vector<1x16xf32>,
      %broadcast_in_dim3A_44 = arith.constant 0.000000e+00 : f32
      %broadcast_in_dim3A_45 = vector.broadcast %broadcast_in_dim3A_44 : f32 to vector<16xf32>
      %swap3A_46 = arith.index_cast %scan3A_37 : i32 to index
      %swap3A_47 = arith.constant 16 : index
      %swap3A_48 = tpu.vector_load %arg10[%swap3A_46, %swap3A_47] {strides = array<i32>} : memref<80x128xf32, #tpu.memory_space<vmem>>, vector<1x16xf32>,
      %swap3A_49 = vector.shape_cast %swap3A_48 : vector<1x16xf32> to vector<16xf32>
      %swap3A_50 = vector.shape_cast %broadcast_in_dim3A_45 : vector<16xf32> to vector<1x16xf32>
      tpu.vector_store %arg10[%swap3A_46, %swap3A_47], %swap3A_50 {strides = array<i32>} : memref<80x128xf32, #tpu.memory_space<vmem>>, vector<1x16xf32>,
      %broadcast_in_dim3A_51 = arith.constant 0.000000e+00 : f32
      %broadcast_in_dim3A_52 = vector.broadcast %broadcast_in_dim3A_51 : f32 to vector<16xf32>
      %swap3A_53 = arith.index_cast %scan3A_37 : i32 to index
      %swap3A_54 = arith.constant 32 : index
      %swap3A_55 = tpu.vector_load %arg10[%swap3A_53, %swap3A_54] {strides = array<i32>} : memref<80x128xf32, #tpu.memory_space<vmem>>, vector<1x16xf32>,
      %swap3A_56 = vector.shape_cast %swap3A_55 : vector<1x16xf32> to vector<16xf32>
      %swap3A_57 = vector.shape_cast %broadcast_in_dim3A_52 : vector<16xf32> to vector<1x16xf32>
      tpu.vector_store %arg10[%swap3A_53, %swap3A_54], %swap3A_57 {strides = array<i32>} : memref<80x128xf32, #tpu.memory_space<vmem>>, vector<1x16xf32>,
      %broadcast_in_dim3A_58 = arith.constant 0.000000e+00 : f32
      %broadcast_in_dim3A_59 = vector.broadcast %broadcast_in_dim3A_58 : f32 to vector<16xf32>
      %swap3A_60 = arith.index_cast %scan3A_37 : i32 to index
      %swap3A_61 = arith.constant 48 : index
      %swap3A_62 = tpu.vector_load %arg10[%swap3A_60, %swap3A_61] {strides = array<i32>} : memref<80x128xf32, #tpu.memory_space<vmem>>, vector<1x16xf32>,
      %swap3A_63 = vector.shape_cast %swap3A_62 : vector<1x16xf32> to vector<16xf32>
      %swap3A_64 = vector.shape_cast %broadcast_in_dim3A_59 : vector<16xf32> to vector<1x16xf32>
      tpu.vector_store %arg10[%swap3A_60, %swap3A_61], %swap3A_64 {strides = array<i32>} : memref<80x128xf32, #tpu.memory_space<vmem>>, vector<1x16xf32>,
      %broadcast_in_dim3A_65 = arith.constant 0.000000e+00 : f32
      %broadcast_in_dim3A_66 = vector.broadcast %broadcast_in_dim3A_65 : f32 to vector<16xf32>
      %swap3A_67 = arith.index_cast %scan3A_37 : i32 to index
      %swap3A_68 = arith.constant 64 : index
      %swap3A_69 = tpu.vector_load %arg10[%swap3A_67, %swap3A_68] {strides = array<i32>} : memref<80x128xf32, #tpu.memory_space<vmem>>, vector<1x16xf32>,
      %swap3A_70 = vector.shape_cast %swap3A_69 : vector<1x16xf32> to vector<16xf32>
      %swap3A_71 = vector.shape_cast %broadcast_in_dim3A_66 : vector<16xf32> to vector<1x16xf32>
      tpu.vector_store %arg10[%swap3A_67, %swap3A_68], %swap3A_71 {strides = array<i32>} : memref<80x128xf32, #tpu.memory_space<vmem>>, vector<1x16xf32>,
      %broadcast_in_dim3A_72 = arith.constant 0.000000e+00 : f32
      %broadcast_in_dim3A_73 = vector.broadcast %broadcast_in_dim3A_72 : f32 to vector<16xf32>
      %swap3A_74 = arith.index_cast %scan3A_37 : i32 to index
      %swap3A_75 = arith.constant 80 : index
      %swap3A_76 = tpu.vector_load %arg10[%swap3A_74, %swap3A_75] {strides = array<i32>} : memref<80x128xf32, #tpu.memory_space<vmem>>, vector<1x16xf32>,
      %swap3A_77 = vector.shape_cast %swap3A_76 : vector<1x16xf32> to vector<16xf32>
      %swap3A_78 = vector.shape_cast %broadcast_in_dim3A_73 : vector<16xf32> to vector<1x16xf32>
      tpu.vector_store %arg10[%swap3A_74, %swap3A_75], %swap3A_78 {strides = array<i32>} : memref<80x128xf32, #tpu.memory_space<vmem>>, vector<1x16xf32>,
      %broadcast_in_dim3A_79 = arith.constant 0.000000e+00 : f32
      %broadcast_in_dim3A_80 = vector.broadcast %broadcast_in_dim3A_79 : f32 to vector<16xf32>
      %swap3A_81 = arith.index_cast %scan3A_37 : i32 to index
      %swap3A_82 = arith.constant 96 : index
      %swap3A_83 = tpu.vector_load %arg10[%swap3A_81, %swap3A_82] {strides = array<i32>} : memref<80x128xf32, #tpu.memory_space<vmem>>, vector<1x16xf32>,
      %swap3A_84 = vector.shape_cast %swap3A_83 : vector<1x16xf32> to vector<16xf32>
      %swap3A_85 = vector.shape_cast %broadcast_in_dim3A_80 : vector<16xf32> to vector<1x16xf32>
      tpu.vector_store %arg10[%swap3A_81, %swap3A_82], %swap3A_85 {strides = array<i32>} : memref<80x128xf32, #tpu.memory_space<vmem>>, vector<1x16xf32>,
      %broadcast_in_dim3A_86 = arith.constant 0.000000e+00 : f32
      %broadcast_in_dim3A_87 = vector.broadcast %broadcast_in_dim3A_86 : f32 to vector<16xf32>
      %swap3A_88 = arith.index_cast %scan3A_37 : i32 to index
      %swap3A_89 = arith.constant 112 : index
      %swap3A_90 = tpu.vector_load %arg10[%swap3A_88, %swap3A_89] {strides = array<i32>} : memref<80x128xf32, #tpu.memory_space<vmem>>, vector<1x16xf32>,
      %swap3A_91 = vector.shape_cast %swap3A_90 : vector<1x16xf32> to vector<16xf32>
      %swap3A_92 = vector.shape_cast %broadcast_in_dim3A_87 : vector<16xf32> to vector<1x16xf32>
      tpu.vector_store %arg10[%swap3A_88, %swap3A_89], %swap3A_92 {strides = array<i32>} : memref<80x128xf32, #tpu.memory_space<vmem>>, vector<1x16xf32>,
      %scan3A_93 = arith.constant 0 : i32
      scf.yield %scan3A_93 : i32
    }
    %scan3A_8 = arith.constant 80 : i32
    %mul3A_9 = arith.constant 640 : i32
    %mul3A_10 = arith.muli %arg1, %mul3A_9 : i32
    %add3A = arith.constant 0 : i32
    %add3A_11 = arith.addi %mul3A_10, %add3A : i32
    "tpu.region"() ({
      %run_scoped3A = tpu.sem_alloc : memref<!tpu.dma_semaphore, #tpu.memory_space<semaphore_mem>>
      %dma_start3A = arith.constant 0 : i32
      %dma_start3A_37 = tpu.memref_slice %arg11[%add3A_11, %dma_start3A] : memref<10240x128xf32, #tpu.memory_space<vmem_shared>> -> memref<80x128xf32, #tpu.memory_space<vmem_shared>>
      %dma_start3A_38 = arith.constant 0 : i32
      %dma_start3A_39 = tpu.memref_slice %arg11[%add3A_11, %dma_start3A_38] : memref<10240x128xf32, #tpu.memory_space<vmem_shared>> -> memref<80x128xf32, #tpu.memory_space<vmem_shared>>
      tpu.enqueue_dma source(%arg10 : memref<80x128xf32, #tpu.memory_space<vmem>>) target(%dma_start3A_39 : memref<80x128xf32, #tpu.memory_space<vmem_shared>>) target_semaphore(%run_scoped3A : memref<!tpu.dma_semaphore, #tpu.memory_space<semaphore_mem>>)
      %dma_wait3A = arith.constant 0 : i32
      %dma_wait3A_40 = tpu.memref_slice %arg11[%add3A_11, %dma_wait3A] : memref<10240x128xf32, #tpu.memory_space<vmem_shared>> -> memref<80x128xf32, #tpu.memory_space<vmem_shared>>
      %dma_wait3A_41 = arith.constant 0 : i32
      %dma_wait3A_42 = tpu.memref_slice %arg11[%add3A_11, %dma_wait3A_41] : memref<10240x128xf32, #tpu.memory_space<vmem_shared>> -> memref<80x128xf32, #tpu.memory_space<vmem_shared>>
      tpu.wait_dma2 semaphore(%run_scoped3A : memref<!tpu.dma_semaphore, #tpu.memory_space<semaphore_mem>>) src(%arg10 : memref<80x128xf32, #tpu.memory_space<vmem>>) dst(%dma_wait3A_42 : memref<80x128xf32, #tpu.memory_space<vmem_shared>>)
      tpu.yield
    }) : () -> ()
    %add3A_12 = arith.constant 80 : i32
    %add3A_13 = arith.addi %mul3A_10, %add3A_12 : i32
    "tpu.region"() ({
      %run_scoped3A = tpu.sem_alloc : memref<!tpu.dma_semaphore, #tpu.memory_space<semaphore_mem>>
      %dma_start3A = arith.constant 0 : i32
      %dma_start3A_37 = tpu.memref_slice %arg11[%add3A_13, %dma_start3A] : memref<10240x128xf32, #tpu.memory_space<vmem_shared>> -> memref<80x128xf32, #tpu.memory_space<vmem_shared>>
      %dma_start3A_38 = arith.constant 0 : i32
      %dma_start3A_39 = tpu.memref_slice %arg11[%add3A_13, %dma_start3A_38] : memref<10240x128xf32, #tpu.memory_space<vmem_shared>> -> memref<80x128xf32, #tpu.memory_space<vmem_shared>>
      tpu.enqueue_dma source(%arg10 : memref<80x128xf32, #tpu.memory_space<vmem>>) target(%dma_start3A_39 : memref<80x128xf32, #tpu.memory_space<vmem_shared>>) target_semaphore(%run_scoped3A : memref<!tpu.dma_semaphore, #tpu.memory_space<semaphore_mem>>)
      %dma_wait3A = arith.constant 0 : i32
      %dma_wait3A_40 = tpu.memref_slice %arg11[%add3A_13, %dma_wait3A] : memref<10240x128xf32, #tpu.memory_space<vmem_shared>> -> memref<80x128xf32, #tpu.memory_space<vmem_shared>>
      %dma_wait3A_41 = arith.constant 0 : i32
      %dma_wait3A_42 = tpu.memref_slice %arg11[%add3A_13, %dma_wait3A_41] : memref<10240x128xf32, #tpu.memory_space<vmem_shared>> -> memref<80x128xf32, #tpu.memory_space<vmem_shared>>
      tpu.wait_dma2 semaphore(%run_scoped3A : memref<!tpu.dma_semaphore, #tpu.memory_space<semaphore_mem>>) src(%arg10 : memref<80x128xf32, #tpu.memory_space<vmem>>) dst(%dma_wait3A_42 : memref<80x128xf32, #tpu.memory_space<vmem_shared>>)
      tpu.yield
    }) : () -> ()
    %add3A_14 = arith.constant 160 : i32
    %add3A_15 = arith.addi %mul3A_10, %add3A_14 : i32
    "tpu.region"() ({
      %run_scoped3A = tpu.sem_alloc : memref<!tpu.dma_semaphore, #tpu.memory_space<semaphore_mem>>
      %dma_start3A = arith.constant 0 : i32
      %dma_start3A_37 = tpu.memref_slice %arg11[%add3A_15, %dma_start3A] : memref<10240x128xf32, #tpu.memory_space<vmem_shared>> -> memref<80x128xf32, #tpu.memory_space<vmem_shared>>
      %dma_start3A_38 = arith.constant 0 : i32
      %dma_start3A_39 = tpu.memref_slice %arg11[%add3A_15, %dma_start3A_38] : memref<10240x128xf32, #tpu.memory_space<vmem_shared>> -> memref<80x128xf32, #tpu.memory_space<vmem_shared>>
      tpu.enqueue_dma source(%arg10 : memref<80x128xf32, #tpu.memory_space<vmem>>) target(%dma_start3A_39 : memref<80x128xf32, #tpu.memory_space<vmem_shared>>) target_semaphore(%run_scoped3A : memref<!tpu.dma_semaphore, #tpu.memory_space<semaphore_mem>>)
      %dma_wait3A = arith.constant 0 : i32
      %dma_wait3A_40 = tpu.memref_slice %arg11[%add3A_15, %dma_wait3A] : memref<10240x128xf32, #tpu.memory_space<vmem_shared>> -> memref<80x128xf32, #tpu.memory_space<vmem_shared>>
      %dma_wait3A_41 = arith.constant 0 : i32
      %dma_wait3A_42 = tpu.memref_slice %arg11[%add3A_15, %dma_wait3A_41] : memref<10240x128xf32, #tpu.memory_space<vmem_shared>> -> memref<80x128xf32, #tpu.memory_space<vmem_shared>>
      tpu.wait_dma2 semaphore(%run_scoped3A : memref<!tpu.dma_semaphore, #tpu.memory_space<semaphore_mem>>) src(%arg10 : memref<80x128xf32, #tpu.memory_space<vmem>>) dst(%dma_wait3A_42 : memref<80x128xf32, #tpu.memory_space<vmem_shared>>)
      tpu.yield
    }) : () -> ()
    %add3A_16 = arith.constant 240 : i32
    %add3A_17 = arith.addi %mul3A_10, %add3A_16 : i32
    "tpu.region"() ({
      %run_scoped3A = tpu.sem_alloc : memref<!tpu.dma_semaphore, #tpu.memory_space<semaphore_mem>>
      %dma_start3A = arith.constant 0 : i32
      %dma_start3A_37 = tpu.memref_slice %arg11[%add3A_17, %dma_start3A] : memref<10240x128xf32, #tpu.memory_space<vmem_shared>> -> memref<80x128xf32, #tpu.memory_space<vmem_shared>>
      %dma_start3A_38 = arith.constant 0 : i32
      %dma_start3A_39 = tpu.memref_slice %arg11[%add3A_17, %dma_start3A_38] : memref<10240x128xf32, #tpu.memory_space<vmem_shared>> -> memref<80x128xf32, #tpu.memory_space<vmem_shared>>
      tpu.enqueue_dma source(%arg10 : memref<80x128xf32, #tpu.memory_space<vmem>>) target(%dma_start3A_39 : memref<80x128xf32, #tpu.memory_space<vmem_shared>>) target_semaphore(%run_scoped3A : memref<!tpu.dma_semaphore, #tpu.memory_space<semaphore_mem>>)
      %dma_wait3A = arith.constant 0 : i32
      %dma_wait3A_40 = tpu.memref_slice %arg11[%add3A_17, %dma_wait3A] : memref<10240x128xf32, #tpu.memory_space<vmem_shared>> -> memref<80x128xf32, #tpu.memory_space<vmem_shared>>
      %dma_wait3A_41 = arith.constant 0 : i32
      %dma_wait3A_42 = tpu.memref_slice %arg11[%add3A_17, %dma_wait3A_41] : memref<10240x128xf32, #tpu.memory_space<vmem_shared>> -> memref<80x128xf32, #tpu.memory_space<vmem_shared>>
      tpu.wait_dma2 semaphore(%run_scoped3A : memref<!tpu.dma_semaphore, #tpu.memory_space<semaphore_mem>>) src(%arg10 : memref<80x128xf32, #tpu.memory_space<vmem>>) dst(%dma_wait3A_42 : memref<80x128xf32, #tpu.memory_space<vmem_shared>>)
      tpu.yield
    }) : () -> ()
    %add3A_18 = arith.constant 320 : i32
    %add3A_19 = arith.addi %mul3A_10, %add3A_18 : i32
    "tpu.region"() ({
      %run_scoped3A = tpu.sem_alloc : memref<!tpu.dma_semaphore, #tpu.memory_space<semaphore_mem>>
      %dma_start3A = arith.constant 0 : i32
      %dma_start3A_37 = tpu.memref_slice %arg11[%add3A_19, %dma_start3A] : memref<10240x128xf32, #tpu.memory_space<vmem_shared>> -> memref<80x128xf32, #tpu.memory_space<vmem_shared>>
      %dma_start3A_38 = arith.constant 0 : i32
      %dma_start3A_39 = tpu.memref_slice %arg11[%add3A_19, %dma_start3A_38] : memref<10240x128xf32, #tpu.memory_space<vmem_shared>> -> memref<80x128xf32, #tpu.memory_space<vmem_shared>>
      tpu.enqueue_dma source(%arg10 : memref<80x128xf32, #tpu.memory_space<vmem>>) target(%dma_start3A_39 : memref<80x128xf32, #tpu.memory_space<vmem_shared>>) target_semaphore(%run_scoped3A : memref<!tpu.dma_semaphore, #tpu.memory_space<semaphore_mem>>)
      %dma_wait3A = arith.constant 0 : i32
      %dma_wait3A_40 = tpu.memref_slice %arg11[%add3A_19, %dma_wait3A] : memref<10240x128xf32, #tpu.memory_space<vmem_shared>> -> memref<80x128xf32, #tpu.memory_space<vmem_shared>>
      %dma_wait3A_41 = arith.constant 0 : i32
      %dma_wait3A_42 = tpu.memref_slice %arg11[%add3A_19, %dma_wait3A_41] : memref<10240x128xf32, #tpu.memory_space<vmem_shared>> -> memref<80x128xf32, #tpu.memory_space<vmem_shared>>
      tpu.wait_dma2 semaphore(%run_scoped3A : memref<!tpu.dma_semaphore, #tpu.memory_space<semaphore_mem>>) src(%arg10 : memref<80x128xf32, #tpu.memory_space<vmem>>) dst(%dma_wait3A_42 : memref<80x128xf32, #tpu.memory_space<vmem_shared>>)
      tpu.yield
    }) : () -> ()
    %add3A_20 = arith.constant 400 : i32
    %add3A_21 = arith.addi %mul3A_10, %add3A_20 : i32
    "tpu.region"() ({
      %run_scoped3A = tpu.sem_alloc : memref<!tpu.dma_semaphore, #tpu.memory_space<semaphore_mem>>
      %dma_start3A = arith.constant 0 : i32
      %dma_start3A_37 = tpu.memref_slice %arg11[%add3A_21, %dma_start3A] : memref<10240x128xf32, #tpu.memory_space<vmem_shared>> -> memref<80x128xf32, #tpu.memory_space<vmem_shared>>
      %dma_start3A_38 = arith.constant 0 : i32
      %dma_start3A_39 = tpu.memref_slice %arg11[%add3A_21, %dma_start3A_38] : memref<10240x128xf32, #tpu.memory_space<vmem_shared>> -> memref<80x128xf32, #tpu.memory_space<vmem_shared>>
      tpu.enqueue_dma source(%arg10 : memref<80x128xf32, #tpu.memory_space<vmem>>) target(%dma_start3A_39 : memref<80x128xf32, #tpu.memory_space<vmem_shared>>) target_semaphore(%run_scoped3A : memref<!tpu.dma_semaphore, #tpu.memory_space<semaphore_mem>>)
      %dma_wait3A = arith.constant 0 : i32
      %dma_wait3A_40 = tpu.memref_slice %arg11[%add3A_21, %dma_wait3A] : memref<10240x128xf32, #tpu.memory_space<vmem_shared>> -> memref<80x128xf32, #tpu.memory_space<vmem_shared>>
      %dma_wait3A_41 = arith.constant 0 : i32
      %dma_wait3A_42 = tpu.memref_slice %arg11[%add3A_21, %dma_wait3A_41] : memref<10240x128xf32, #tpu.memory_space<vmem_shared>> -> memref<80x128xf32, #tpu.memory_space<vmem_shared>>
      tpu.wait_dma2 semaphore(%run_scoped3A : memref<!tpu.dma_semaphore, #tpu.memory_space<semaphore_mem>>) src(%arg10 : memref<80x128xf32, #tpu.memory_space<vmem>>) dst(%dma_wait3A_42 : memref<80x128xf32, #tpu.memory_space<vmem_shared>>)
      tpu.yield
    }) : () -> ()
    %add3A_22 = arith.constant 480 : i32
    %add3A_23 = arith.addi %mul3A_10, %add3A_22 : i32
    "tpu.region"() ({
      %run_scoped3A = tpu.sem_alloc : memref<!tpu.dma_semaphore, #tpu.memory_space<semaphore_mem>>
      %dma_start3A = arith.constant 0 : i32
      %dma_start3A_37 = tpu.memref_slice %arg11[%add3A_23, %dma_start3A] : memref<10240x128xf32, #tpu.memory_space<vmem_shared>> -> memref<80x128xf32, #tpu.memory_space<vmem_shared>>
      %dma_start3A_38 = arith.constant 0 : i32
      %dma_start3A_39 = tpu.memref_slice %arg11[%add3A_23, %dma_start3A_38] : memref<10240x128xf32, #tpu.memory_space<vmem_shared>> -> memref<80x128xf32, #tpu.memory_space<vmem_shared>>
      tpu.enqueue_dma source(%arg10 : memref<80x128xf32, #tpu.memory_space<vmem>>) target(%dma_start3A_39 : memref<80x128xf32, #tpu.memory_space<vmem_shared>>) target_semaphore(%run_scoped3A : memref<!tpu.dma_semaphore, #tpu.memory_space<semaphore_mem>>)
      %dma_wait3A = arith.constant 0 : i32
      %dma_wait3A_40 = tpu.memref_slice %arg11[%add3A_23, %dma_wait3A] : memref<10240x128xf32, #tpu.memory_space<vmem_shared>> -> memref<80x128xf32, #tpu.memory_space<vmem_shared>>
      %dma_wait3A_41 = arith.constant 0 : i32
      %dma_wait3A_42 = tpu.memref_slice %arg11[%add3A_23, %dma_wait3A_41] : memref<10240x128xf32, #tpu.memory_space<vmem_shared>> -> memref<80x128xf32, #tpu.memory_space<vmem_shared>>
      tpu.wait_dma2 semaphore(%run_scoped3A : memref<!tpu.dma_semaphore, #tpu.memory_space<semaphore_mem>>) src(%arg10 : memref<80x128xf32, #tpu.memory_space<vmem>>) dst(%dma_wait3A_42 : memref<80x128xf32, #tpu.memory_space<vmem_shared>>)
      tpu.yield
    }) : () -> ()
    %add3A_24 = arith.constant 560 : i32
    %add3A_25 = arith.addi %mul3A_10, %add3A_24 : i32
    "tpu.region"() ({
      %run_scoped3A = tpu.sem_alloc : memref<!tpu.dma_semaphore, #tpu.memory_space<semaphore_mem>>
      %dma_start3A = arith.constant 0 : i32
      %dma_start3A_37 = tpu.memref_slice %arg11[%add3A_25, %dma_start3A] : memref<10240x128xf32, #tpu.memory_space<vmem_shared>> -> memref<80x128xf32, #tpu.memory_space<vmem_shared>>
      %dma_start3A_38 = arith.constant 0 : i32
      %dma_start3A_39 = tpu.memref_slice %arg11[%add3A_25, %dma_start3A_38] : memref<10240x128xf32, #tpu.memory_space<vmem_shared>> -> memref<80x128xf32, #tpu.memory_space<vmem_shared>>
      tpu.enqueue_dma source(%arg10 : memref<80x128xf32, #tpu.memory_space<vmem>>) target(%dma_start3A_39 : memref<80x128xf32, #tpu.memory_space<vmem_shared>>) target_semaphore(%run_scoped3A : memref<!tpu.dma_semaphore, #tpu.memory_space<semaphore_mem>>)
      %dma_wait3A = arith.constant 0 : i32
      %dma_wait3A_40 = tpu.memref_slice %arg11[%add3A_25, %dma_wait3A] : memref<10240x128xf32, #tpu.memory_space<vmem_shared>> -> memref<80x128xf32, #tpu.memory_space<vmem_shared>>
      %dma_wait3A_41 = arith.constant 0 : i32
      %dma_wait3A_42 = tpu.memref_slice %arg11[%add3A_25, %dma_wait3A_41] : memref<10240x128xf32, #tpu.memory_space<vmem_shared>> -> memref<80x128xf32, #tpu.memory_space<vmem_shared>>
      tpu.wait_dma2 semaphore(%run_scoped3A : memref<!tpu.dma_semaphore, #tpu.memory_space<semaphore_mem>>) src(%arg10 : memref<80x128xf32, #tpu.memory_space<vmem>>) dst(%dma_wait3A_42 : memref<80x128xf32, #tpu.memory_space<vmem_shared>>)
      tpu.yield
    }) : () -> ()
    %barrier3A = arith.constant 0 : index
    tpu.barrier barrier_id(%barrier3A)
    %scan3A_26 = arith.constant 0 : i32
    %scan3A_27 = arith.constant 0 : i32
    %scan3A_28 = arith.constant 125 : i32
    %scan3A_29 = arith.addi %scan3A_27, %scan3A_28 : i32
    %scan3A_30 = arith.constant 1 : i32
    %scan3A_31 = scf.for %scan3A_37 = %scan3A_27 to %scan3A_29 step %scan3A_30 iter_args(%scan3A_38 = %scan3A_26) -> (i32)  : i32 {
      %mul3A_39 = arith.constant 80 : i32
      %mul3A_40 = arith.muli %scan3A_37, %mul3A_39 : i32
      %add3A_41 = arith.addi %mul3A_2, %mul3A_40 : i32
      "tpu.region"() ({
        %run_scoped3A = tpu.sem_alloc : memref<!tpu.dma_semaphore, #tpu.memory_space<semaphore_mem>>
        %dma_start3A_147 = tpu.memref_slice %arg3[%add3A_41] : memref<160000xi32, #tpu.memory_space<hbm>> -> memref<80xi32, #tpu.memory_space<hbm>>
        %dma_start3A_148 = tpu.memref_slice %arg3[%add3A_41] : memref<160000xi32, #tpu.memory_space<hbm>> -> memref<80xi32, #tpu.memory_space<hbm>>
        tpu.enqueue_dma source(%dma_start3A_148 : memref<80xi32, #tpu.memory_space<hbm>>) target(%arg7 : memref<80xi32, #tpu.memory_space<vmem>>) target_semaphore(%run_scoped3A : memref<!tpu.dma_semaphore, #tpu.memory_space<semaphore_mem>>)
        %dma_wait3A_149 = tpu.memref_slice %arg3[%add3A_41] : memref<160000xi32, #tpu.memory_space<hbm>> -> memref<80xi32, #tpu.memory_space<hbm>>
        %dma_wait3A_150 = tpu.memref_slice %arg3[%add3A_41] : memref<160000xi32, #tpu.memory_space<hbm>> -> memref<80xi32, #tpu.memory_space<hbm>>
        tpu.wait_dma2 semaphore(%run_scoped3A : memref<!tpu.dma_semaphore, #tpu.memory_space<semaphore_mem>>) src(%dma_wait3A_150 : memref<80xi32, #tpu.memory_space<hbm>>) dst(%arg7 : memref<80xi32, #tpu.memory_space<vmem>>)
        tpu.yield
      }) : () -> ()
      "tpu.region"() ({
        %run_scoped3A = tpu.sem_alloc : memref<!tpu.dma_semaphore, #tpu.memory_space<semaphore_mem>>
        %dma_start3A_147 = tpu.memref_slice %arg4[%add3A_41] : memref<160000xi32, #tpu.memory_space<hbm>> -> memref<80xi32, #tpu.memory_space<hbm>>
        %dma_start3A_148 = tpu.memref_slice %arg4[%add3A_41] : memref<160000xi32, #tpu.memory_space<hbm>> -> memref<80xi32, #tpu.memory_space<hbm>>
        tpu.enqueue_dma source(%dma_start3A_148 : memref<80xi32, #tpu.memory_space<hbm>>) target(%arg8 : memref<80xi32, #tpu.memory_space<vmem>>) target_semaphore(%run_scoped3A : memref<!tpu.dma_semaphore, #tpu.memory_space<semaphore_mem>>)
        %dma_wait3A_149 = tpu.memref_slice %arg4[%add3A_41] : memref<160000xi32, #tpu.memory_space<hbm>> -> memref<80xi32, #tpu.memory_space<hbm>>
        %dma_wait3A_150 = tpu.memref_slice %arg4[%add3A_41] : memref<160000xi32, #tpu.memory_space<hbm>> -> memref<80xi32, #tpu.memory_space<hbm>>
        tpu.wait_dma2 semaphore(%run_scoped3A : memref<!tpu.dma_semaphore, #tpu.memory_space<semaphore_mem>>) src(%dma_wait3A_150 : memref<80xi32, #tpu.memory_space<hbm>>) dst(%arg8 : memref<80xi32, #tpu.memory_space<vmem>>)
        tpu.yield
      }) : () -> ()
      "tpu.region"() ({
        %run_scoped3A = tpu.sem_alloc : memref<!tpu.dma_semaphore, #tpu.memory_space<semaphore_mem>>
        %dma_start3A_147 = tpu.memref_slice %arg5[%add3A_41] : memref<160000xi32, #tpu.memory_space<hbm>> -> memref<80xi32, #tpu.memory_space<hbm>>
        %dma_start3A_148 = tpu.memref_slice %arg5[%add3A_41] : memref<160000xi32, #tpu.memory_space<hbm>> -> memref<80xi32, #tpu.memory_space<hbm>>
        tpu.enqueue_dma source(%dma_start3A_148 : memref<80xi32, #tpu.memory_space<hbm>>) target(%arg9 : memref<80xi32, #tpu.memory_space<vmem>>) target_semaphore(%run_scoped3A : memref<!tpu.dma_semaphore, #tpu.memory_space<semaphore_mem>>)
        %dma_wait3A_149 = tpu.memref_slice %arg5[%add3A_41] : memref<160000xi32, #tpu.memory_space<hbm>> -> memref<80xi32, #tpu.memory_space<hbm>>
        %dma_wait3A_150 = tpu.memref_slice %arg5[%add3A_41] : memref<160000xi32, #tpu.memory_space<hbm>> -> memref<80xi32, #tpu.memory_space<hbm>>
        tpu.wait_dma2 semaphore(%run_scoped3A : memref<!tpu.dma_semaphore, #tpu.memory_space<semaphore_mem>>) src(%dma_wait3A_150 : memref<80xi32, #tpu.memory_space<hbm>>) dst(%arg9 : memref<80xi32, #tpu.memory_space<vmem>>)
        tpu.yield
      }) : () -> ()
      %get3A = arith.constant 0 : index
      %get3A_42 = tpu.vector_load %arg8[%get3A] {strides = array<i32>} : memref<80xi32, #tpu.memory_space<vmem>>, vector<16xi32>,
      %get3A_43 = vector.shape_cast %get3A_42 : vector<16xi32> to vector<16xi32>
      %add3A_44 = vector.broadcast %mul3A_0 : i32 to vector<16xi32>
      %add3A_45 = arith.addi %get3A_43, %add3A_44 : vector<16xi32>
      %swap3A = arith.constant 0 : index
      %swap3A_46 = tpu.vector_load %arg8[%swap3A] {strides = array<i32>} : memref<80xi32, #tpu.memory_space<vmem>>, vector<16xi32>,
      %swap3A_47 = vector.shape_cast %swap3A_46 : vector<16xi32> to vector<16xi32>
      %swap3A_48 = vector.shape_cast %add3A_45 : vector<16xi32> to vector<16xi32>
      tpu.vector_store %arg8[%swap3A], %swap3A_48 {strides = array<i32>} : memref<80xi32, #tpu.memory_space<vmem>>, vector<16xi32>,
      %get3A_49 = arith.constant 0 : index
      %get3A_50 = tpu.vector_load %arg9[%get3A_49] {strides = array<i32>} : memref<80xi32, #tpu.memory_space<vmem>>, vector<16xi32>,
      %get3A_51 = vector.shape_cast %get3A_50 : vector<16xi32> to vector<16xi32>
      %add3A_52 = vector.broadcast %mul3A_0 : i32 to vector<16xi32>
      %add3A_53 = arith.addi %get3A_51, %add3A_52 : vector<16xi32>
      %swap3A_54 = arith.constant 0 : index
      %swap3A_55 = tpu.vector_load %arg9[%swap3A_54] {strides = array<i32>} : memref<80xi32, #tpu.memory_space<vmem>>, vector<16xi32>,
      %swap3A_56 = vector.shape_cast %swap3A_55 : vector<16xi32> to vector<16xi32>
      %swap3A_57 = vector.shape_cast %add3A_53 : vector<16xi32> to vector<16xi32>
      tpu.vector_store %arg9[%swap3A_54], %swap3A_57 {strides = array<i32>} : memref<80xi32, #tpu.memory_space<vmem>>, vector<16xi32>,
      %get3A_58 = arith.constant 16 : index
      %get3A_59 = tpu.vector_load %arg8[%get3A_58] {strides = array<i32>} : memref<80xi32, #tpu.memory_space<vmem>>, vector<16xi32>,
      %get3A_60 = vector.shape_cast %get3A_59 : vector<16xi32> to vector<16xi32>
      %add3A_61 = vector.broadcast %mul3A_0 : i32 to vector<16xi32>
      %add3A_62 = arith.addi %get3A_60, %add3A_61 : vector<16xi32>
      %swap3A_63 = arith.constant 16 : index
      %swap3A_64 = tpu.vector_load %arg8[%swap3A_63] {strides = array<i32>} : memref<80xi32, #tpu.memory_space<vmem>>, vector<16xi32>,
      %swap3A_65 = vector.shape_cast %swap3A_64 : vector<16xi32> to vector<16xi32>
      %swap3A_66 = vector.shape_cast %add3A_62 : vector<16xi32> to vector<16xi32>
      tpu.vector_store %arg8[%swap3A_63], %swap3A_66 {strides = array<i32>} : memref<80xi32, #tpu.memory_space<vmem>>, vector<16xi32>,
      %get3A_67 = arith.constant 16 : index
      %get3A_68 = tpu.vector_load %arg9[%get3A_67] {strides = array<i32>} : memref<80xi32, #tpu.memory_space<vmem>>, vector<16xi32>,
      %get3A_69 = vector.shape_cast %get3A_68 : vector<16xi32> to vector<16xi32>
      %add3A_70 = vector.broadcast %mul3A_0 : i32 to vector<16xi32>
      %add3A_71 = arith.addi %get3A_69, %add3A_70 : vector<16xi32>
      %swap3A_72 = arith.constant 16 : index
      %swap3A_73 = tpu.vector_load %arg9[%swap3A_72] {strides = array<i32>} : memref<80xi32, #tpu.memory_space<vmem>>, vector<16xi32>,
      %swap3A_74 = vector.shape_cast %swap3A_73 : vector<16xi32> to vector<16xi32>
      %swap3A_75 = vector.shape_cast %add3A_71 : vector<16xi32> to vector<16xi32>
      tpu.vector_store %arg9[%swap3A_72], %swap3A_75 {strides = array<i32>} : memref<80xi32, #tpu.memory_space<vmem>>, vector<16xi32>,
      %get3A_76 = arith.constant 32 : index
      %get3A_77 = tpu.vector_load %arg8[%get3A_76] {strides = array<i32>} : memref<80xi32, #tpu.memory_space<vmem>>, vector<16xi32>,
      %get3A_78 = vector.shape_cast %get3A_77 : vector<16xi32> to vector<16xi32>
      %add3A_79 = vector.broadcast %mul3A_0 : i32 to vector<16xi32>
      %add3A_80 = arith.addi %get3A_78, %add3A_79 : vector<16xi32>
      %swap3A_81 = arith.constant 32 : index
      %swap3A_82 = tpu.vector_load %arg8[%swap3A_81] {strides = array<i32>} : memref<80xi32, #tpu.memory_space<vmem>>, vector<16xi32>,
      %swap3A_83 = vector.shape_cast %swap3A_82 : vector<16xi32> to vector<16xi32>
      %swap3A_84 = vector.shape_cast %add3A_80 : vector<16xi32> to vector<16xi32>
      tpu.vector_store %arg8[%swap3A_81], %swap3A_84 {strides = array<i32>} : memref<80xi32, #tpu.memory_space<vmem>>, vector<16xi32>,
      %get3A_85 = arith.constant 32 : index
      %get3A_86 = tpu.vector_load %arg9[%get3A_85] {strides = array<i32>} : memref<80xi32, #tpu.memory_space<vmem>>, vector<16xi32>,
      %get3A_87 = vector.shape_cast %get3A_86 : vector<16xi32> to vector<16xi32>
      %add3A_88 = vector.broadcast %mul3A_0 : i32 to vector<16xi32>
      %add3A_89 = arith.addi %get3A_87, %add3A_88 : vector<16xi32>
      %swap3A_90 = arith.constant 32 : index
      %swap3A_91 = tpu.vector_load %arg9[%swap3A_90] {strides = array<i32>} : memref<80xi32, #tpu.memory_space<vmem>>, vector<16xi32>,
      %swap3A_92 = vector.shape_cast %swap3A_91 : vector<16xi32> to vector<16xi32>
      %swap3A_93 = vector.shape_cast %add3A_89 : vector<16xi32> to vector<16xi32>
      tpu.vector_store %arg9[%swap3A_90], %swap3A_93 {strides = array<i32>} : memref<80xi32, #tpu.memory_space<vmem>>, vector<16xi32>,
      %get3A_94 = arith.constant 48 : index
      %get3A_95 = tpu.vector_load %arg8[%get3A_94] {strides = array<i32>} : memref<80xi32, #tpu.memory_space<vmem>>, vector<16xi32>,
      %get3A_96 = vector.shape_cast %get3A_95 : vector<16xi32> to vector<16xi32>
      %add3A_97 = vector.broadcast %mul3A_0 : i32 to vector<16xi32>
      %add3A_98 = arith.addi %get3A_96, %add3A_97 : vector<16xi32>
      %swap3A_99 = arith.constant 48 : index
      %swap3A_100 = tpu.vector_load %arg8[%swap3A_99] {strides = array<i32>} : memref<80xi32, #tpu.memory_space<vmem>>, vector<16xi32>,
      %swap3A_101 = vector.shape_cast %swap3A_100 : vector<16xi32> to vector<16xi32>
      %swap3A_102 = vector.shape_cast %add3A_98 : vector<16xi32> to vector<16xi32>
      tpu.vector_store %arg8[%swap3A_99], %swap3A_102 {strides = array<i32>} : memref<80xi32, #tpu.memory_space<vmem>>, vector<16xi32>,
      %get3A_103 = arith.constant 48 : index
      %get3A_104 = tpu.vector_load %arg9[%get3A_103] {strides = array<i32>} : memref<80xi32, #tpu.memory_space<vmem>>, vector<16xi32>,
      %get3A_105 = vector.shape_cast %get3A_104 : vector<16xi32> to vector<16xi32>
      %add3A_106 = vector.broadcast %mul3A_0 : i32 to vector<16xi32>
      %add3A_107 = arith.addi %get3A_105, %add3A_106 : vector<16xi32>
      %swap3A_108 = arith.constant 48 : index
      %swap3A_109 = tpu.vector_load %arg9[%swap3A_108] {strides = array<i32>} : memref<80xi32, #tpu.memory_space<vmem>>, vector<16xi32>,
      %swap3A_110 = vector.shape_cast %swap3A_109 : vector<16xi32> to vector<16xi32>
      %swap3A_111 = vector.shape_cast %add3A_107 : vector<16xi32> to vector<16xi32>
      tpu.vector_store %arg9[%swap3A_108], %swap3A_111 {strides = array<i32>} : memref<80xi32, #tpu.memory_space<vmem>>, vector<16xi32>,
      %get3A_112 = arith.constant 64 : index
      %get3A_113 = tpu.vector_load %arg8[%get3A_112] {strides = array<i32>} : memref<80xi32, #tpu.memory_space<vmem>>, vector<16xi32>,
      %get3A_114 = vector.shape_cast %get3A_113 : vector<16xi32> to vector<16xi32>
      %add3A_115 = vector.broadcast %mul3A_0 : i32 to vector<16xi32>
      %add3A_116 = arith.addi %get3A_114, %add3A_115 : vector<16xi32>
      %swap3A_117 = arith.constant 64 : index
      %swap3A_118 = tpu.vector_load %arg8[%swap3A_117] {strides = array<i32>} : memref<80xi32, #tpu.memory_space<vmem>>, vector<16xi32>,
      %swap3A_119 = vector.shape_cast %swap3A_118 : vector<16xi32> to vector<16xi32>
      %swap3A_120 = vector.shape_cast %add3A_116 : vector<16xi32> to vector<16xi32>
      tpu.vector_store %arg8[%swap3A_117], %swap3A_120 {strides = array<i32>} : memref<80xi32, #tpu.memory_space<vmem>>, vector<16xi32>,
      %get3A_121 = arith.constant 64 : index
      %get3A_122 = tpu.vector_load %arg9[%get3A_121] {strides = array<i32>} : memref<80xi32, #tpu.memory_space<vmem>>, vector<16xi32>,
      %get3A_123 = vector.shape_cast %get3A_122 : vector<16xi32> to vector<16xi32>
      %add3A_124 = vector.broadcast %mul3A_0 : i32 to vector<16xi32>
      %add3A_125 = arith.addi %get3A_123, %add3A_124 : vector<16xi32>
      %swap3A_126 = arith.constant 64 : index
      %swap3A_127 = tpu.vector_load %arg9[%swap3A_126] {strides = array<i32>} : memref<80xi32, #tpu.memory_space<vmem>>, vector<16xi32>,
      %swap3A_128 = vector.shape_cast %swap3A_127 : vector<16xi32> to vector<16xi32>
      %swap3A_129 = vector.shape_cast %add3A_125 : vector<16xi32> to vector<16xi32>
      tpu.vector_store %arg9[%swap3A_126], %swap3A_129 {strides = array<i32>} : memref<80xi32, #tpu.memory_space<vmem>>, vector<16xi32>,
      %dma_start3A = arith.constant 0 : i32
      %dma_start3A_130 = arith.constant 0 : i32
      %dma_start3A_131 = tpu.memref_slice %arg2[%dma_start3A, %dma_start3A_130] : memref<20000x128xf32, #tpu.memory_space<hbm>> -> memref<20000x128xf32, #tpu.memory_space<hbm>>
      tpu.enqueue_indirect_dma source(%dma_start3A_131 : memref<20000x128xf32, #tpu.memory_space<hbm>>) target(%arg10 : memref<80x128xf32, #tpu.memory_space<vmem>>) offsets(%arg8 : memref<80xi32, #tpu.memory_space<vmem>>) semaphore(%arg12 : memref<!tpu.dma_semaphore, #tpu.memory_space<semaphore_mem>>)
      %dma_wait3A = arith.constant 0 : i32
      %dma_wait3A_132 = arith.constant 0 : i32
      %dma_wait3A_133 = tpu.memref_slice %arg2[%dma_wait3A, %dma_wait3A_132] : memref<20000x128xf32, #tpu.memory_space<hbm>> -> memref<20000x128xf32, #tpu.memory_space<hbm>>
      tpu.wait_indirect_dma semaphore(%arg12 : memref<!tpu.dma_semaphore, #tpu.memory_space<semaphore_mem>>) src(%dma_wait3A_133 : memref<20000x128xf32, #tpu.memory_space<hbm>>) dst(%arg10 : memref<80x128xf32, #tpu.memory_space<vmem>>)
      %dma_start3A_134 = arith.constant 0 : i32
      %dma_start3A_135 = arith.constant 0 : i32
      %dma_start3A_136 = tpu.memref_slice %arg2[%dma_start3A_134, %dma_start3A_135] : memref<20000x128xf32, #tpu.memory_space<hbm>> -> memref<20000x128xf32, #tpu.memory_space<hbm>>
      tpu.enqueue_indirect_dma source(%dma_start3A_136 : memref<20000x128xf32, #tpu.memory_space<hbm>>) target(%arg10 : memref<80x128xf32, #tpu.memory_space<vmem>>) offsets(%arg9 : memref<80xi32, #tpu.memory_space<vmem>>) semaphore(%arg12 : memref<!tpu.dma_semaphore, #tpu.memory_space<semaphore_mem>>) {add = true}
      %dma_wait3A_137 = arith.constant 0 : i32
      %dma_wait3A_138 = arith.constant 0 : i32
      %dma_wait3A_139 = tpu.memref_slice %arg2[%dma_wait3A_137, %dma_wait3A_138] : memref<20000x128xf32, #tpu.memory_space<hbm>> -> memref<20000x128xf32, #tpu.memory_space<hbm>>
      tpu.wait_indirect_dma semaphore(%arg12 : memref<!tpu.dma_semaphore, #tpu.memory_space<semaphore_mem>>) src(%dma_wait3A_139 : memref<20000x128xf32, #tpu.memory_space<hbm>>) dst(%arg10 : memref<80x128xf32, #tpu.memory_space<vmem>>)
      %dma_start3A_140 = arith.constant 0 : i32
      %dma_start3A_141 = arith.constant 0 : i32
      %dma_start3A_142 = tpu.memref_slice %arg11[%dma_start3A_140, %dma_start3A_141] : memref<10240x128xf32, #tpu.memory_space<vmem_shared>> -> memref<10240x128xf32, #tpu.memory_space<vmem_shared>>
      tpu.enqueue_indirect_dma source(%arg10 : memref<80x128xf32, #tpu.memory_space<vmem>>) target(%dma_start3A_142 : memref<10240x128xf32, #tpu.memory_space<vmem_shared>>) offsets(%arg7 : memref<80xi32, #tpu.memory_space<vmem>>) semaphore(%arg12 : memref<!tpu.dma_semaphore, #tpu.memory_space<semaphore_mem>>) {add = true}
      %dma_wait3A_143 = arith.constant 0 : i32
      %dma_wait3A_144 = arith.constant 0 : i32
      %dma_wait3A_145 = tpu.memref_slice %arg11[%dma_wait3A_143, %dma_wait3A_144] : memref<10240x128xf32, #tpu.memory_space<vmem_shared>> -> memref<10240x128xf32, #tpu.memory_space<vmem_shared>>
      tpu.wait_indirect_dma semaphore(%arg12 : memref<!tpu.dma_semaphore, #tpu.memory_space<semaphore_mem>>) src(%arg10 : memref<80x128xf32, #tpu.memory_space<vmem>>) dst(%dma_wait3A_145 : memref<10240x128xf32, #tpu.memory_space<vmem_shared>>)
      %scan3A_146 = arith.constant 0 : i32
      scf.yield %scan3A_146 : i32
    }
    %scan3A_32 = arith.constant 125 : i32
    %barrier3A_33 = arith.constant 0 : index
    tpu.barrier barrier_id(%barrier3A_33)
    %mul3A_34 = arith.constant 10240 : i32
    %mul3A_35 = arith.muli %arg0, %mul3A_34 : i32
    %add3A_36 = arith.addi %mul3A_35, %mul3A_10 : i32
    "tpu.region"() ({
      %run_scoped3A = tpu.sem_alloc : memref<!tpu.dma_semaphore, #tpu.memory_space<semaphore_mem>>
      %dma_start3A = arith.constant 0 : i32
      %dma_start3A_37 = tpu.memref_slice %arg6[%add3A_36, %dma_start3A] : memref<20480x128xf32, #tpu.memory_space<hbm>> -> memref<640x128xf32, #tpu.memory_space<hbm>>
      %dma_start3A_38 = arith.constant 0 : i32
      %dma_start3A_39 = tpu.memref_slice %arg11[%mul3A_10, %dma_start3A_38] : memref<10240x128xf32, #tpu.memory_space<vmem_shared>> -> memref<640x128xf32, #tpu.memory_space<vmem_shared>>
      tpu.enqueue_dma source(%dma_start3A_39 : memref<640x128xf32, #tpu.memory_space<vmem_shared>>) target(%dma_start3A_37 : memref<640x128xf32, #tpu.memory_space<hbm>>) target_semaphore(%run_scoped3A : memref<!tpu.dma_semaphore, #tpu.memory_space<semaphore_mem>>)
      %dma_wait3A = arith.constant 0 : i32
      %dma_wait3A_40 = tpu.memref_slice %arg6[%add3A_36, %dma_wait3A] : memref<20480x128xf32, #tpu.memory_space<hbm>> -> memref<640x128xf32, #tpu.memory_space<hbm>>
      %dma_wait3A_41 = arith.constant 0 : i32
      %dma_wait3A_42 = tpu.memref_slice %arg11[%mul3A_10, %dma_wait3A_41] : memref<10240x128xf32, #tpu.memory_space<vmem_shared>> -> memref<640x128xf32, #tpu.memory_space<vmem_shared>>
      tpu.wait_dma2 semaphore(%run_scoped3A : memref<!tpu.dma_semaphore, #tpu.memory_space<semaphore_mem>>) src(%dma_wait3A_42 : memref<640x128xf32, #tpu.memory_space<vmem_shared>>) dst(%dma_wait3A_40 : memref<640x128xf32, #tpu.memory_space<hbm>>)
      tpu.yield
    }) : () -> ()
    return
  }
}

</mosaic_0001>

<sc_bundles>
// kernel: _run.3.cloned.1.call-start
scs
__scs_entry_jumppad:
0x0: {  	(pc) =	sbr.rel $0x88, $3  }
0x1: {  	(tag) =	ssettag $0x0;
	lr =	simm.s32 $0x1  }
0x2: {  	[smem:$0x3F9D] =	sst lr;
	_ =	strace $0xD0000000  }
0x3: {  	_ = 	snop  }
0x4: {  	_ = 	snop  }
0x5: {  	_ = 	snop  }
0x6: {  	_ = 	snop  }
0x7: {  	_ = 	snop  }
__scs_overlays_trampoline_lowered:
0x8: {  	[smem:$0x3FAC] =	sst s0  }
0x9: {  	[smem:$0x3FAD] =	sst s1  }
0xa: {  	[smem:$0x3FAE] =	sst s2  }
0xb: {  	[smem:$0x3FAF] =	sst s3  }
0xc: {  	[smem:$0x3FB0] =	sst s4  }
0xd: {  	[smem:$0x3FB1] =	sst s5  }
0xe: {  	[smem:$0x3FB2] =	sst s6  }
0xf: {  	[smem:$0x3FB3] =	sst s7  }
0x10: {  	[smem:$0x3FB4] =	sst s8  }
0x11: {  	[smem:$0x3FB5] =	sst s9;
	s0 =	simm.s32 @!p0 $0x0  }
0x12: {  	s1 =	sld [smem:$0x3F9B];
	s0 =	simm.s32 @p0 $0x1  }
0x13: {  	[smem:$0x3FB6] =	sst s0;
	s0 =	simm.s32 @!p1 $0x0  }
0x14: {  	s2 =	sld [smem:$0x3F9A];
	s0 =	simm.s32 @p1 $0x1  }
0x15: {  	[smem:$0x3FB7] =	sst s0;
	s0 =	simm.s32 @!p2 $0x0  }
0x16: {  	s3 =	sld [smem:$0x3FDB];
	s0 =	simm.s32 @p2 $0x1  }
0x17: {  	s4 =	simm.s32 $0x1BF5;
	[smem:$0x3FB9] =	sst s0  }
0x18: {  	s0 =	sld [smem:$0x3F9C];
	_ =	swait.ge [sflag:s4], $0x0  }
0x19: {  	s7 =	sld [smem:$0x3F9D]  }
0x1a: {  	s8 =	sadd.s32 $0xFFFFE003, lr  }
0x1b: {  	s9 =	sadd.s32 $0xFFFFFEF7, lr;
	s5 =	simm.s32 $0xFFFFFFFF;
	p2 =	slt.u32 s8, $0xFFFFF086  }
0x1c: {  	p1 =	slt.u32 s9, $0xF7A;
	s5 =	simm.s32 @!p2 $0x0  }
0x1d: {  	s5 =	simm.s32 @p1 $0x1;
	p0 =	seq.s32 s7, s2  }
0x1e: {  	s7 =	smul.u32 @!p0 $0xF7A, s2;
	p2 =	seq.s32 @!p0 s5, $0x0  }
0x1f: {  	s9 =	smul.u32 $0xF7A, s1;
	s8 =	simm.s32 @!p0 $0x1BF5;
	p2 =	por !p2, p0  }
0x20: {  	[sflag:s8] =	ssyncset.s32 @!p0 $0xFFFFF086;
	s6 =	sadd.s32 @!p0 s3, s7;
	s7 =	simm.s32 @!p0 $0x108  }
0x21: {  	s3 =	sadd.s32 s3, s9;
	s6 =	sadd.s32 @!p0 $0x88, s6;
	s7 =	simm.s32 @p2 $0x1082  }
0x22: {  	[simem:s7], [sflag:s8] =	dma.local @!p0 [hbm:s6], $0xF7A  }
0x23: {  	s9 =	sor.u32 $0xD0000000, s2;
	s6 =	simm.s32 $0x108;
	_ =	swait.ge @!p0 [sflag:s8], $0x0  }
0x24: {  	s3 =	sadd.s32 $0x88, s3;
	s6 =	simm.s32 @!p1 $0x1082;
	[sflag:s4] =	ssyncset.s32 $0xFFFFF086  }
0x25: {  	[simem:s6], [sflag:s4] =	dma.local [hbm:s3], $0xF7A  }
0x26: {  	[smem:$0x3F9D] =	sst s1;
	(tag) =	ssettag s2;
	_ =	strace s9  }
0x27: {  	s1 =	sld [smem:$0x3FAD]  }
0x28: {  	s2 =	sld [smem:$0x3FAE]  }
0x29: {  	s4 =	sld [smem:$0x3FB0]  }
0x2a: {  	p0 =	seq.s32 s5, $0x0;
	s5 =	sld [smem:$0x3FB1]  }
0x2b: {  	s6 =	sld [smem:$0x3FB2]  }
0x2c: {  	s7 =	sld [smem:$0x3FB3]  }
0x2d: {  	s3 =	simm.s32 $0x108;
	s8 =	sld [smem:$0x3FB4]  }
0x2e: {  	s3 =	simm.s32 @!p0 $0x1082;
	s9 =	sld [smem:$0x3FB5]  }
0x2f: {  	lr =	sadd.s32 s0, s3;
	s0 =	sld [smem:$0x3FAC]  }
0x30: {  	s3 =	sld [smem:$0x3FAF]  }
0x31: {  	[smem:$0x3FB8] =	sst s10  }
0x32: {  	s10 =	sld [smem:$0x3FB6];
	_ =	sdelay $0x3  }
0x33: {  	p0 =	seq.s32 s10, $0x1;
	s10 =	sld [smem:$0x3FB8];
	_ =	sdelay $0x3  }
0x34: {  	[smem:$0x3FB8] =	sst s10  }
0x35: {  	s10 =	sld [smem:$0x3FB7];
	_ =	sdelay $0x3  }
0x36: {  	p1 =	seq.s32 s10, $0x1;
	s10 =	sld [smem:$0x3FB8];
	_ =	sdelay $0x3  }
0x37: {  	[smem:$0x3FB8] =	sst s10  }
0x38: {  	s10 =	sld [smem:$0x3FB9]  }
0x39: {  	_ = 	snop;
	(pc) =	sbr.ind lr, $3  }
0x3a: {  	_ = 	snop  }
0x3b: {  	_ = 	snop  }
0x3c: {  	p2 =	seq.s32 s10, $0x1;
	s10 =	sld [smem:$0x3FB8]  }
0x3d: {  	_ =	shalt  }
0x3e: {  	_ =	shalt  }
0x3f: {  	_ =	shalt  }
0x40: {  	_ =	shalt  }
0x41: {  	_ =	shalt  }
0x42: {  	_ =	shalt  }
0x43: {  	_ =	shalt  }
0x44: {  	_ =	shalt  }
0x45: {  	_ =	shalt  }
0x46: {  	_ =	shalt  }
0x47: {  	_ =	shalt  }
0x48: {  	_ =	shalt  }
0x49: {  	_ =	shalt  }
0x4a: {  	_ =	shalt  }
0x4b: {  	_ =	shalt  }
0x4c: {  	_ =	shalt  }
0x4d: {  	_ =	shalt  }
0x4e: {  	_ =	shalt  }
0x4f: {  	_ =	shalt  }
0x50: {  	_ =	shalt  }
0x51: {  	_ =	shalt  }
0x52: {  	_ =	shalt  }
0x53: {  	_ =	shalt  }
0x54: {  	_ =	shalt  }
0x55: {  	_ =	shalt  }
0x56: {  	_ =	shalt  }
0x57: {  	_ =	shalt  }
0x58: {  	_ =	shalt  }
0x59: {  	_ =	shalt  }
0x5a: {  	_ =	shalt  }
0x5b: {  	_ =	shalt  }
0x5c: {  	_ =	shalt  }
0x5d: {  	_ =	shalt  }
0x5e: {  	_ =	shalt  }
0x5f: {  	_ =	shalt  }
0x60: {  	_ =	shalt  }
0x61: {  	_ =	shalt  }
0x62: {  	_ =	shalt  }
0x63: {  	_ =	shalt  }
0x64: {  	_ =	shalt  }
0x65: {  	_ =	shalt  }
0x66: {  	_ =	shalt  }
0x67: {  	_ =	shalt  }
0x68: {  	_ =	shalt  }
0x69: {  	_ =	shalt  }
0x6a: {  	_ =	shalt  }
0x6b: {  	_ =	shalt  }
0x6c: {  	_ =	shalt  }
0x6d: {  	_ =	shalt  }
0x6e: {  	_ =	shalt  }
0x6f: {  	_ =	shalt  }
0x70: {  	_ =	shalt  }
0x71: {  	_ =	shalt  }
0x72: {  	_ =	shalt  }
0x73: {  	_ =	shalt  }
0x74: {  	_ =	shalt  }
0x75: {  	_ =	shalt  }
0x76: {  	_ =	shalt  }
0x77: {  	_ =	shalt  }
0x78: {  	_ =	shalt  }
0x79: {  	_ =	shalt  }
0x7a: {  	_ =	shalt  }
0x7b: {  	_ =	shalt  }
0x7c: {  	_ =	shalt  }
0x7d: {  	_ =	shalt  }
0x7e: {  	_ =	shalt  }
0x7f: {  	_ =	shalt  }
0x80: {  	_ =	shalt  }
0x81: {  	_ =	shalt  }
0x82: {  	_ =	shalt  }
0x83: {  	_ =	shalt  }
0x84: {  	_ =	shalt  }
0x85: {  	_ =	shalt  }
0x86: {  	_ =	shalt  }
0x87: {  	_ =	shalt  }
.Lfunc_end0:
.L_simem_size_0:
called_computation_lowered:
.L_overlay_start_0:
0x88: {  	s2 =	sld [smem:$0x3FD9]  }
0x89: {  	s3 =	sld [smem:$0x3FFE];
	_ =	sdelay $0x1  }
0x8a: {  	s1 =	srdreg.scid  }
0x8b: {  	s0 =	sand.u32 $0x1, s1  }
0x8c: {  	s18 =	sshll.u32 s0, $0xA;
	s2 =	sadd.s32 s3, s2  }
0x8d: {  	s2 =	sadd.s32 s2, s18  }
0x8e: {  	[smem:$0x3FC4] =	sst s2  }
0x8f: {  	_ = 	snop  }
0x90: {  	s2 =	sld [smem:$0x3FC9]  }
0x91: {  	s19 =	sld [smem:$0x3FC8]  }
0x92: {  	s4 =	sld [smem:$0x3FC7]  }
0x93: {  	s5 =	sld [smem:$0x3FC6]  }
0x94: {  	s6 =	sld [smem:$0x3FD0];
	(tm) =	ssettm $0x1  }
0x95: {  	s7 =	sld [smem:$0x3FFB];
	_ =	sdelay $0x3  }
0x96: {  	_ =	strace s7  }
0x97: {  	s7 =	sld [smem:$0x3FFC];
	_ =	sdelay $0x3  }
0x98: {  	_ =	strace s7  }
0x99: {  	s7 =	sld [smem:$0x3FFD];
	_ =	sdelay $0x3  }
0x9a: {  	_ =	strace s7  }
0x9b: {  	_ =	strace $0x8FFFFFFF  }
0x9c: {  	s20 =	sld [smem:$0x3FDB];
	_ =	sdelay $0x1  }
0x9d: {  	s8 =	simm.s32 $_scs_section_size  }
0x9e: {  	s9 =	simm.s32 $_size__tile_overlayer_lowered;
	s10 =	simm.s32 $_tile_overlayer_lowered  }
0x9f: {  	s23 =	simm.s32 $0x1BFF;
	s22 =	sshll.u32 s10, $0x1;
	s7 =	sadd.s32 s8, s20  }
0xa0: {  	s11 =	simm.s32 $0x0;
	s21 =	sshll.u32 s9, $0x1;
	s9 =	sadd.s32 s22, s7  }
0xa1: {  	[timem:s11], [sflag:s23] =	dma.local [hbm:s9], s21  }
0xa2: {  	_ =	swait.ge [sflag:s23], s21  }
0xa3: {  	s8 =	ssub.s32 $0x0, s21;
	[sflag:s23] =	ssyncset.done $0x0  }
0xa4: {  	[sflag:s23] =	ssyncadd.s32 s8;
	_ =	sdelay $0x1  }
0xa5: {  	s24 =	simm.s32 $0x1B8B  }
0xa6: {  	_ =	swait.ge [sflag:s24], $0x1  }
0xa7: {  	[sflag:s24] =	ssyncset.done $0x0  }
0xa8: {  	s25 =	simm.s32 $0x1B8E;
	[sflag:s24] =	ssyncadd.s32 $0xFFFFFFFF  }
0xa9: {  	s26 =	simm.s32 $execute0_lowered;
	[smem:$0x3FD2] =	sst s25  }
0xaa: {  	s8 =	sshll.u32 s26, $0x1;
	_ =	strace $0x80000046;
	[dreg:$0x1] =	wrdreg $0xFFFFFFFF  }
0xab: {  	s28 =	simm.s32 $_size_execute0_lowered;
	s7 =	sadd.s32 s7, s8;
	[dreg:$0x0] =	wrdreg $0x0  }
0xac: {  	s8 =	sshll.u32 s28, $0x1;
	[dreg:$0x2] =	wrdreg s7  }
0xad: {  	[dreg:$0x3] =	wrdreg s8  }
0xae: {  	[dreg:$0x4] =	wrdreg $0xC0  }
0xaf: {  	_ =	task [dreg:s11], $0x5FFFF  }
0xb0: {  	[dreg:$0x1] =	wrdreg $0xFFFFFFFF  }
0xb1: {  	[dreg:$0x0] =	wrdreg $0x60  }
0xb2: {  	[dreg:$0x2] =	wrdreg s2  }
0xb3: {  	[dreg:$0x3] =	wrdreg s19  }
0xb4: {  	[dreg:$0x4] =	wrdreg s4  }
0xb5: {  	[dreg:$0x5] =	wrdreg s5  }
0xb6: {  	[dreg:$0x6] =	wrdreg s6  }
0xb7: {  	[dreg:$0x7] =	wrdreg $0x29800  }
0xb8: {  	[dreg:$0x8] =	wrdreg $0x9  }
0xb9: {  	_ =	task.clear_ibuf [dreg:s11], $0x9FFFF;
	_ =	strace $0x90000046  }
0xba: {  	s29 =	simm.s32 $0x9;
	_ =	strace $0x80000048  }
0xbb: {  	_ =	swait.ge [sflag:s29], $0x1  }
0xbc: {  	[sflag:s29] =	ssyncadd.s32 $0xFFFFFFFF  }
0xbd: {  	_ =	strace $0x90000048  }
0xbe: {  	_ =	sfence  }
0xbf: {  	s30 =	sld [smem:$0x0];
	_ =	sdelay $0x2  }
0xc0: {  	s31 =	sshll.u32 s1, $0xD;
	s1 =	sshrl.u32 s1, $0x2  }
0xc1: {  	s3 =	sand.u32 $0x4000, s31;
	s1 =	sadd.s32 s1, s30  }
0xc2: {  	s0 =	sor.u32 s3, s0;
	s1 =	sshll.u32 s1, $0x11  }
0xc3: {  	s0 =	sor.u32 s1, s0  }
0xc4: {  	s0 =	sadd.s32 $0x8F2B, s0  }
0xc5: {  	[sflag:s0] =	ssyncadd.remote.s32 $0x1  }
0xc6: {  	_ =	sfence.sel $0xFFFF  }
0xc7: {  	[dreg:$0x0] =	wrdreg $0xFFFFFFFF;
	(pc) =	sbr.abs _section_cstart, $3  }
0xc8: {  	[dreg:$0x1] =	wrdreg $0xFFFFFFFF  }
0xc9: {  	_ =	task.clear_ibuf [dreg:s11], $0x2FFFF;
	_ =	strace $0x9FFFFFFF  }
0xca: {  	(tm) =	ssettm $0x7FFFFFFF  }
0xcb: {  	_ =	shalt  }
tec
execute0_lowered:
.L_overlay_start_1:
0x0: {  	(tag) =	ssettag $0x1  }
0x1: {  	s1 =	rddreg [dreg:$0x0]  }
0x2: {  	s17 =	rddreg [dreg:$0x1]  }
0x3: {  	s16 =	rddreg [dreg:$0x2]  }
0x4: {  	s15 =	rddreg [dreg:$0x3]  }
0x5: {  	s13 =	rddreg [dreg:$0x4]  }
0x6: {  	s3 =	rddreg [dreg:$0x5];
	s2 =	stileid.u32  }
0x7: {  	s0 =	rddreg [dreg:$0x6];
	s4 =	simm.s32 $0x0;
	s6 =	smul.u32 $0x50000, s2  }
0x8: {  	s5 =	srdreg.scid;
	s21 =	simm.s32 $0x100;
	s18 =	smul.u32 $0x2800, s2  }
0x9: {  	s23 =	simm.s32 $0x1;
	s9 =	sand.u32 $0x1, s5;
	s20 =	smul.u32 $0x4E2, s2  }
0xa: {  	s24 =	simm.s32 $0x0;
	[smem:$0x7FF] =	sst s4;
	s22 =	smul.u32 $0x2710, s9  }
0xb: {  	_ =	strace $0x80000047;
	s7 =	ssub.s32 $0x2, s9;
	s19 =	smul.u32 $0x28000, s9  }
0xc: {  	s30 =	sshrl.u32 s6, $0x2;
	s31 =	sshrl.u32 s7, $0x1;
	s15 =	sadd.s32 s20, s15  }
0xd: {  	s16 =	sadd.s32 s20, s16;
	s17 =	sadd.s32 s20, s17;
	s20 =	simm.s32 $0x80  }
0xe: {  	s5 =	sadd.s32 s30, s3;
	s14 =	ssub.s32 s7, s31;
	s18 =	sadd.s32 s18, s19  }
0xf: {  	s19 =	simm.s32 $0x2;
	v0 =	vmov s22;
	s22 =	simm.s32 $0x50;
	s6 =	sadd.s32 $0x2800, s5  }
0x10: {  	s7 =	sadd.s32 $0x5000, s5;
	s8 =	sadd.s32 $0x7800, s5;
	s9 =	sadd.s32 $0xA000, s5  }
0x11: {  	s10 =	sadd.s32 $0xC800, s5;
	s11 =	sadd.s32 $0xF000, s5;
	s12 =	sadd.s32 $0x11800, s5  }
0x12: {  	v1 =	vimm.f32 $0.0e+00;
	s13 =	sadd.s32 s13, s18;
	s14 =	smax.u32 s14, $0x1;
	s18 =	simm.s32 $0x180  }
.LBB2_1:
0x13: {  	s25 =	simm.s32 $0x0;
	s26 =	simm.s32 $0x200  }
.LBB2_2:
0x14: {  	p0 =	sne.s32 s26, $0x9E00;
	[tilespmem:s25+$0x1F0] =	vst v1  }
0x15: {  	[tilespmem:s25+$0x180] =	vst v1  }
0x16: {  	[tilespmem:s25+$0x190] =	vst v1  }
.Ltmp0:
0x17: {  	[tilespmem:s25+$0x1A0] =	vst v1;
	(pc) =	sbr.rel @p0 .LBB2_2-.Ltmp0, $4  }
0x18: {  	[tilespmem:s25+$0x1B0] =	vst v1  }
0x19: {  	[tilespmem:s25+$0x1C0] =	vst v1  }
0x1a: {  	[tilespmem:s25+$0x1D0] =	vst v1  }
0x1b: {  	[tilespmem:s25+$0x1E0] =	vst v1;
	s25 =	sshra.s32 s26, $0x2;
	s26 =	sadd.s32 $0x200, s26  }
0x1c: {  	[tilespmem:s25+$0x1F0] =	vst v1  }
0x1d: {  	[tilespmem:s25+$0x180] =	vst v1  }
0x1e: {  	[tilespmem:s25+$0x190] =	vst v1  }
0x1f: {  	[tilespmem:s25+$0x1A0] =	vst v1  }
0x20: {  	[tilespmem:s25+$0x1B0] =	vst v1  }
0x21: {  	[tilespmem:s25+$0x1C0] =	vst v1  }
0x22: {  	[tilespmem:s25+$0x1D0] =	vst v1  }
0x23: {  	[tilespmem:s25+$0x1E0] =	vst v1  }
0x24: {  	[spmem:s5] =	stream.linear.scatter [tilespmem:s18], [sflag:$0x2], $0x2800, $0x38;
	[tilespmem:$0x16980] =	vst v63  }
0x25: {  	_ =	swait.ge [sflag:s19], $0x2800  }
0x26: {  	[sflag:s19] =	ssyncset.done $0x0  }
0x27: {  	[sflag:s19] =	ssyncadd.s32 $0xFFFFD800  }
0x28: {  	[spmem:s6] =	stream.linear.scatter [tilespmem:s18], [sflag:$0x2], $0x2800, $0x38;
	[tilespmem:$0x16980] =	vst v63  }
0x29: {  	_ =	swait.ge [sflag:s19], $0x2800  }
0x2a: {  	[sflag:s19] =	ssyncset.done $0x0  }
0x2b: {  	[sflag:s19] =	ssyncadd.s32 $0xFFFFD800  }
0x2c: {  	[spmem:s7] =	stream.linear.scatter [tilespmem:s18], [sflag:$0x2], $0x2800, $0x38;
	[tilespmem:$0x16980] =	vst v63  }
0x2d: {  	_ =	swait.ge [sflag:s19], $0x2800  }
0x2e: {  	[sflag:s19] =	ssyncset.done $0x0  }
0x2f: {  	[sflag:s19] =	ssyncadd.s32 $0xFFFFD800  }
0x30: {  	[spmem:s8] =	stream.linear.scatter [tilespmem:s18], [sflag:$0x2], $0x2800, $0x38;
	[tilespmem:$0x16980] =	vst v63  }
0x31: {  	_ =	swait.ge [sflag:s19], $0x2800  }
0x32: {  	[sflag:s19] =	ssyncset.done $0x0  }
0x33: {  	[sflag:s19] =	ssyncadd.s32 $0xFFFFD800  }
0x34: {  	[spmem:s9] =	stream.linear.scatter [tilespmem:s18], [sflag:$0x2], $0x2800, $0x38;
	[tilespmem:$0x16980] =	vst v63  }
0x35: {  	_ =	swait.ge [sflag:s19], $0x2800  }
0x36: {  	[sflag:s19] =	ssyncset.done $0x0  }
0x37: {  	[sflag:s19] =	ssyncadd.s32 $0xFFFFD800  }
0x38: {  	[spmem:s10] =	stream.linear.scatter [tilespmem:s18], [sflag:$0x2], $0x2800, $0x38;
	[tilespmem:$0x16980] =	vst v63  }
0x39: {  	_ =	swait.ge [sflag:s19], $0x2800  }
0x3a: {  	[sflag:s19] =	ssyncset.done $0x0  }
0x3b: {  	[sflag:s19] =	ssyncadd.s32 $0xFFFFD800  }
0x3c: {  	[spmem:s11] =	stream.linear.scatter [tilespmem:s18], [sflag:$0x2], $0x2800, $0x38;
	[tilespmem:$0x16980] =	vst v63  }
0x3d: {  	_ =	swait.ge [sflag:s19], $0x2800  }
0x3e: {  	[sflag:s19] =	ssyncset.done $0x0  }
0x3f: {  	[sflag:s19] =	ssyncadd.s32 $0xFFFFD800  }
0x40: {  	[spmem:s12] =	stream.linear.scatter [tilespmem:s18], [sflag:$0x2], $0x2800, $0x38;
	[tilespmem:$0x16980] =	vst v63  }
0x41: {  	_ =	swait.ge [sflag:s19], $0x2800  }
0x42: {  	[sflag:s19] =	ssyncset.done $0x0  }
0x43: {  	[sflag:s19] =	ssyncadd.s32 $0xFFFFD800  }
0x44: {  	s29 =	sadd.s32 $0x0, s17;
	[bflag:$0x0] =	sbarrier.arrive $0xFFFF  }
0x45: {  	[tilespmem:s4], [sflag:$0x2] =	stream.linear.gather [hbm4b:s29+s4], $0x50, $0x38;
	[tilespmem:$0x16980] =	vst v63  }
0x46: {  	_ =	swait.ge [sflag:s19], $0x50  }
0x47: {  	[sflag:s19] =	ssyncset.done $0x0  }
0x48: {  	s30 =	sadd.s32 $0x0, s16;
	[sflag:s19] =	ssyncadd.s32 $0xFFFFFFB0  }
0x49: {  	[tilespmem:s20], [sflag:$0x2] =	stream.linear.gather [hbm4b:s30+s4], $0x50, $0x38;
	[tilespmem:$0x16980] =	vst v63  }
0x4a: {  	_ =	swait.ge [sflag:s19], $0x50  }
0x4b: {  	[sflag:s19] =	ssyncset.done $0x0  }
0x4c: {  	s31 =	sadd.s32 $0x0, s15;
	[sflag:s19] =	ssyncadd.s32 $0xFFFFFFB0  }
0x4d: {  	[tilespmem:s21], [sflag:$0x2] =	stream.linear.gather [hbm4b:s31+s4], $0x50, $0x38;
	[tilespmem:$0x16980] =	vst v63  }
0x4e: {  	_ =	swait.ge [sflag:s19], $0x50  }
0x4f: {  	[sflag:s19] =	ssyncset.done $0x0  }
0x50: {  	[sflag:s19] =	ssyncadd.s32 $0xFFFFFFB0  }
0x51: {  	v2 =	vld [tilespmem:$0x140]  }
0x52: {  	v3 =	vld [tilespmem:$0xB0]  }
0x53: {  	v5 =	vld [tilespmem:$0x120]  }
0x54: {  	v4 =	vld [tilespmem:$0xC0]  }
0x55: {  	v6 =	vld [tilespmem:$0xA0]  }
0x56: {  	v7 =	vld [tilespmem:$0x110];
	v2 =	vadd.s32 v0, v2  }
0x57: {  	v8 =	vld [tilespmem:$0x90];
	v3 =	vadd.s32 v0, v3;
	[tilespmem:$0x140] =	vst v2  }
0x58: {  	v60 =	vadd.s32 v0, v5;
	v2 =	vld [tilespmem:$0x100];
	[tilespmem:$0xB0] =	vst v3  }
0x59: {  	v61 =	vld [tilespmem:$0x130];
	v3 =	vadd.s32 v0, v4;
	[tilespmem:$0x120] =	vst v60  }
0x5a: {  	v6 =	vadd.s32 v0, v6;
	[tilespmem:$0xC0] =	vst v3;
	v3 =	vld [tilespmem:$0x80]  }
0x5b: {  	v62 =	vadd.s32 v0, v7;
	[tilespmem:$0xA0] =	vst v6  }
0x5c: {  	v63 =	vadd.s32 v0, v8;
	[tilespmem:$0x110] =	vst v62  }
0x5d: {  	[tilespmem:$0x90] =	vst v63;
	v2 =	vadd.s32 v0, v2  }
0x5e: {  	[tilespmem:$0x100] =	vst v2;
	v2 =	vadd.s32 v0, v61  }
0x5f: {  	v3 =	vadd.s32 v0, v3;
	[tilespmem:$0x130] =	vst v2  }
0x60: {  	[tilespmem:$0x80] =	vst v3  }
0x61: {  	[tilespmem:s18], [sflag:$0x1] =	stream.indirect.gather [hbm4b:s1+s22], $0x80, s20, s22, $0xb8;
	[tilespmem:$0x16980] =	vst v63  }
0x62: {  	s25 =	simm.s32 $0xA;
	_ =	swait.ge [sflag:s23], $0x2800  }
.LBB2_4:
0x63: {  	p0 =	sne.s32 s25, $0x4D8  }
0x64: {  	[sflag:s23] =	ssyncset.done $0x0;
	s26 =	smov.u32 s25;
	s25 =	sadd.s32 $0xA, s25  }
0x65: {  	[sflag:s23] =	ssyncadd.s32 $0xFFFFD800  }
0x66: {  	[tilespmem:s18], [sflag:$0x1] =	stream.indirect.gather.add.f32 [hbm:s1], $0x80, s21, s22, $0xb8;
	[tilespmem:$0x16980] =	vst v63  }
0x67: {  	_ =	swait.ge [sflag:s23], $0x2800  }
0x68: {  	[sflag:s23] =	ssyncset.done $0x0  }
0x69: {  	[sflag:s23] =	ssyncadd.s32 $0xFFFFD800  }
0x6a: {  	[spmem:s3] =	stream.indirect.scatter.add.f32 [tilespmem:s18], [sflag:$0x1], $0x80, s4, s22, $0xb8;
	[tilespmem:$0x16980] =	vst v63  }
0x6b: {  	_ =	swait.ge [sflag:s23], $0x2800  }
0x6c: {  	[sflag:s23] =	ssyncset.done $0x0  }
0x6d: {  	s28 =	sadd.s32 s26, s17;
	[sflag:s23] =	ssyncadd.s32 $0xFFFFD800  }
0x6e: {  	[tilespmem:s4], [sflag:$0x2] =	stream.linear.gather [hbm4b:s28+s4], $0x50, $0x38;
	[tilespmem:$0x16980] =	vst v63  }
0x6f: {  	_ =	swait.ge [sflag:s19], $0x50  }
0x70: {  	[sflag:s19] =	ssyncset.done $0x0  }
0x71: {  	s28 =	sadd.s32 s26, s16;
	[sflag:s19] =	ssyncadd.s32 $0xFFFFFFB0  }
0x72: {  	[tilespmem:s20], [sflag:$0x2] =	stream.linear.gather [hbm4b:s28+s4], $0x50, $0x38;
	[tilespmem:$0x16980] =	vst v63  }
0x73: {  	_ =	swait.ge [sflag:s19], $0x50  }
0x74: {  	[sflag:s19] =	ssyncset.done $0x0  }
0x75: {  	s26 =	sadd.s32 s26, s15;
	[sflag:s19] =	ssyncadd.s32 $0xFFFFFFB0  }
0x76: {  	[tilespmem:s21], [sflag:$0x2] =	stream.linear.gather [hbm4b:s26+s4], $0x50, $0x38;
	[tilespmem:$0x16980] =	vst v63  }
0x77: {  	_ =	swait.ge [sflag:s19], $0x50  }
0x78: {  	[sflag:s19] =	ssyncset.done $0x0  }
0x79: {  	[sflag:s19] =	ssyncadd.s32 $0xFFFFFFB0  }
0x7a: {  	v2 =	vld [tilespmem:$0x140]  }
0x7b: {  	v3 =	vld [tilespmem:$0xB0]  }
0x7c: {  	v4 =	vld [tilespmem:$0xC0]  }
0x7d: {  	v5 =	vld [tilespmem:$0x120]  }
0x7e: {  	v6 =	vld [tilespmem:$0xA0]  }
0x7f: {  	v7 =	vld [tilespmem:$0x110];
	v2 =	vadd.s32 v0, v2  }
0x80: {  	v8 =	vld [tilespmem:$0x90];
	v3 =	vadd.s32 v0, v3;
	[tilespmem:$0x140] =	vst v2  }
0x81: {  	v2 =	vld [tilespmem:$0x100];
	[tilespmem:$0xB0] =	vst v3;
	v3 =	vadd.s32 v0, v4  }
0x82: {  	v4 =	vadd.s32 v0, v5;
	v5 =	vld [tilespmem:$0x130];
	[tilespmem:$0xC0] =	vst v3  }
0x83: {  	v3 =	vld [tilespmem:$0x80];
	v6 =	vadd.s32 v0, v6;
	[tilespmem:$0x120] =	vst v4  }
0x84: {  	v4 =	vadd.s32 v0, v7;
	[tilespmem:$0xA0] =	vst v6  }
0x85: {  	v6 =	vadd.s32 v0, v8;
	[tilespmem:$0x110] =	vst v4  }
0x86: {  	v2 =	vadd.s32 v0, v2;
	[tilespmem:$0x90] =	vst v6  }
.Ltmp1:
0x87: {  	[tilespmem:$0x100] =	vst v2;
	v2 =	vadd.s32 v0, v5;
	(pc) =	sbr.rel @p0 .LBB2_4-.Ltmp1, $4  }
0x88: {  	v3 =	vadd.s32 v0, v3;
	[tilespmem:$0x130] =	vst v2  }
0x89: {  	[tilespmem:$0x80] =	vst v3  }
0x8a: {  	[tilespmem:s18], [sflag:$0x1] =	stream.indirect.gather [hbm4b:s1+s22], $0x80, s20, s22, $0xb8;
	[tilespmem:$0x16980] =	vst v63  }
0x8b: {  	_ =	swait.ge [sflag:s23], $0x2800  }
0x8c: {  	[sflag:s23] =	ssyncset.done $0x0  }
0x8d: {  	[sflag:s23] =	ssyncadd.s32 $0xFFFFD800  }
0x8e: {  	[tilespmem:s18], [sflag:$0x1] =	stream.indirect.gather.add.f32 [hbm:s1], $0x80, s21, s22, $0xb8;
	[tilespmem:$0x16980] =	vst v63  }
0x8f: {  	_ =	swait.ge [sflag:s23], $0x2800  }
0x90: {  	[sflag:s23] =	ssyncset.done $0x0  }
0x91: {  	[sflag:s23] =	ssyncadd.s32 $0xFFFFD800  }
0x92: {  	[spmem:s3] =	stream.indirect.scatter.add.f32 [tilespmem:s18], [sflag:$0x1], $0x80, s4, s22, $0xb8;
	[tilespmem:$0x16980] =	vst v63  }
0x93: {  	_ =	swait.ge [sflag:s23], $0x2800  }
0x94: {  	s25 =	sshll.u32 s2, $0x6;
	s24 =	sadd.s32 $0x1, s24;
	[sflag:s23] =	ssyncset.done $0x0  }
0x95: {  	s26 =	sshrl.u32 s5, $0x3;
	p0 =	sne.s32 s24, s14;
	[sflag:s23] =	ssyncadd.s32 $0xFFFFD800  }
.Ltmp2:
0x96: {  	s25 =	sor.u32 $0x1C02, s25;
	[bflag:$0x0] =	sbarrier.arrive $0xFFFF;
	(pc) =	sbr.rel @p0 .LBB2_1-.Ltmp2, $4  }
0x97: {  	[hbm:s13], [sflag:s25] =	dma.local [spmem:s26], $0x2800  }
0x98: {  	_ =	swait.ge [sflag:s19], $0x2800  }
0x99: {  	[sflag:s19] =	ssyncset.done $0x0  }
0x9a: {  	[sflag:s19] =	ssyncadd.s32 $0xFFFFD800  }
0x9b: {  	_ =	sfence.sel $0x180000  }
0x9c: {  	[bflag:$0x0] =	sbarrier.arrive $0xFFFF  }
0x9d: {  	p0 =	sne.s32 s2, $0x0;
	_ =	strace $0x90000047  }
0x9e: {  	s0 =	sadd.s32 @!p0 $0x100000, s0;
	[bflag:$0x2] =	sbarrier.arrive $0xFFFF  }
0x9f: {  	[sflag:s0] =	ssyncadd.tile.s32 @!p0 $0x1;
	_ =	shalt  }
.Lfunc_end2:
_tile_overlayer_lowered:
.L_overlay_start_2:
0xa0: {  	(tag) =	ssettag $0x2  }
0xa1: {  	s0 =	rddreg [dreg:$0x0];
	s2 =	stileid.u32  }
0xa2: {  	s1 =	rddreg [dreg:$0x1];
	p0 =	sne.s32 s2, $0x0  }
0xa3: {  	s3 =	rddreg [dreg:$0x2];
	[bflag:$0x3] =	sbarrier.arrive $0xFFFF;
	s2 =	simm.s32 @!p0 $0x1C02  }
0xa4: {  	[timem:s3], [sflag:s2] =	dma.local @!p0 [hbm:s0], s1  }
0xa5: {  	s0 =	simm.s32 @!p0 $0x2  }
0xa6: {  	_ =	swait.ge @!p0 [sflag:s0], s1  }
0xa7: {  	s1 =	ssub.s32 @!p0 $0x0, s1;
	[sflag:s0] =	ssyncset.done @!p0 $0x0  }
0xa8: {  	[sflag:s0] =	ssyncadd.s32 @!p0 s1  }
0xa9: {  	[bflag:$0x3] =	sbarrier.arrive $0xFFFF  }
0xaa: {  	_ =	shalt  }

</sc_bundles>
